<compile_context>
chip_gen: v7x
topology: tpu7x:2x2x1
jax: 0.10.2.dev20260603
libtpu: 0.0.44.dev20260713+nightly
codegen_flags: <defaults>
</compile_context>

<pallas_src>
import jax
import jax.numpy as jnp
from jax import lax
from jax.experimental import pallas as pl
from jax.experimental.pallas import tpu as pltpu
from jax.experimental.pallas import tpu_sc as plsc

_L = 16


def _sc_body(upd_hbm, i1_hbm, i2_hbm, params_hbm, out_hbm,
             upd_v, i1_v, i2_v, buf_v, sem):
    sid = lax.axis_index("s")

    @pl.when(sid == 0)
    def _():
        cp_p = pltpu.make_async_copy(params_hbm, buf_v, sem)
        cp_u = pltpu.make_async_copy(upd_hbm, upd_v.at[pl.ds(0, 2)], sem)
        cp_1 = pltpu.make_async_copy(i1_hbm, i1_v.at[pl.ds(0, 2)], sem)
        cp_2 = pltpu.make_async_copy(i2_hbm, i2_v.at[pl.ds(0, 2)], sem)
        cp_p.start(); cp_u.start(); cp_1.start(); cp_2.start()
        cp_p.wait(); cp_u.wait(); cp_1.wait(); cp_2.wait()
        lane = lax.iota(jnp.int32, _L)
        mask = lane < 2
        flat = i1_v[...] * 40 + (lane + 1) * 10 + i2_v[...]
        flat = jnp.where(mask, flat, 0)
        plsc.store_scatter(buf_v, [flat], upd_v[...], mask=mask)
        pltpu.sync_copy(buf_v, out_hbm)


def kernel(update, index1, index2, params):
    mesh = plsc.VectorSubcoreMesh(core_axis_name="c", subcore_axis_name="s",
                                  num_cores=1)
    out = pl.kernel(
        _sc_body,
        mesh=mesh,
        compiler_params=pltpu.CompilerParams(needs_layout_passes=False),
        out_type=jax.ShapeDtypeStruct((160,), jnp.float32),
        scratch_types=[
            pltpu.VMEM((_L,), jnp.float32),
            pltpu.VMEM((_L,), jnp.int32),
            pltpu.VMEM((_L,), jnp.int32),
            pltpu.VMEM((160,), jnp.float32),
            pltpu.SemaphoreType.DMA,
        ],
    )(update.astype(jnp.float32), index1.astype(jnp.int32),
      index2.astype(jnp.int32), params.reshape(160))
    return out.reshape(4, 4, 10)

# --- scband reference (transcript-rebuilt; emitter-appended) ---
"""Pipeline reference for scband-update-model-11879879542037 (READ-ONLY COPY).

The authoritative reference and input builder live on the scoring server;
editing this copy changes nothing except your own understanding.
"""

import jax, jax.numpy as jnp
import numpy as np


def setup_inputs(seed: int = 0) -> dict:
    key = jax.random.key(seed)
    k1, k2, k3 = jax.random.split(key, 3)
    update = jax.random.normal(k1, (2,), dtype=jnp.float32)
    index1 = jax.random.randint(k2, (2,), 0, 4, dtype=jnp.int64)
    index2 = jax.random.randint(k3, (2,), 0, 10, dtype=jnp.int64)
    params = jnp.zeros((4, 4, 10), dtype=jnp.float32)
    return {"update": update, "index1": index1, "index2": index2, "params": params}


def reference(update, index1, index2, params):
    mid = jnp.array([1, 2], dtype=jnp.int64)
    # copy = params.clone(); copy[index1, [1,2], index2] = update
    copy = params.at[index1, mid, index2].set(update)
    return copy

if __name__ == "__main__":
    import jax
    _d = setup_inputs()
    print(jax.jit(kernel)(*tuple(_d.values())))

</pallas_src>

<mosaic_0001>
#map = affine_map<(d0, d1) -> (0)>
module attributes {stable_mosaic.version = 14 : i64} {
  func.func @_sc_body(%arg0: i32, %arg1: i32, %arg2: memref<2xf32, #tpu.memory_space<hbm>>, %arg3: memref<2xi32, #tpu.memory_space<hbm>>, %arg4: memref<2xi32, #tpu.memory_space<hbm>>, %arg5: memref<160xf32, #tpu.memory_space<hbm>>, %arg6: memref<160xf32, #tpu.memory_space<hbm>>, %arg7: memref<16xf32, #tpu.memory_space<vmem>>, %arg8: memref<16xi32, #tpu.memory_space<vmem>>, %arg9: memref<16xi32, #tpu.memory_space<vmem>>, %arg10: memref<160xf32, #tpu.memory_space<vmem>>, %arg11: memref<!tpu.dma_semaphore, #tpu.memory_space<semaphore_mem>>) attributes {dimension_semantics = [#tpu.dimension_semantics<core_parallel>, #tpu.dimension_semantics<subcore_parallel>], iteration_bounds = array<i64: 1, 16>, scalar_prefetch = 0 : i64, scratch_operands = 5 : i64, tpu.core_type = #tpu.core_type<sc_vector_subcore>, window_params = [{transform_indices = #map}, {transform_indices = #map}, {transform_indices = #map}, {transform_indices = #map}, {transform_indices = #map}]} {
    %eq3A = arith.constant 0 : i32
    %eq3A_0 = arith.cmpi eq, %arg1, %eq3A : i32
    %convert_element_type3A = arith.extui %eq3A_0 : i1 to i32
    %cond3A = arith.constant 0 : i32
    %cond3A_1 = arith.cmpi ne, %convert_element_type3A, %cond3A : i32
    scf.if %cond3A_1 {
      tpu.enqueue_dma source(%arg5 : memref<160xf32, #tpu.memory_space<hbm>>) target(%arg10 : memref<160xf32, #tpu.memory_space<vmem>>) target_semaphore(%arg11 : memref<!tpu.dma_semaphore, #tpu.memory_space<semaphore_mem>>)
      %dma_start3A = arith.constant 0 : i32
      %dma_start3A_2 = tpu.memref_slice %arg7[%dma_start3A] : memref<16xf32, #tpu.memory_space<vmem>> -> memref<2xf32, #tpu.memory_space<vmem>>
      %dma_start3A_3 = arith.constant 0 : i32
      %dma_start3A_4 = tpu.memref_slice %arg7[%dma_start3A_3] : memref<16xf32, #tpu.memory_space<vmem>> -> memref<2xf32, #tpu.memory_space<vmem>>
      tpu.enqueue_dma source(%arg2 : memref<2xf32, #tpu.memory_space<hbm>>) target(%dma_start3A_4 : memref<2xf32, #tpu.memory_space<vmem>>) target_semaphore(%arg11 : memref<!tpu.dma_semaphore, #tpu.memory_space<semaphore_mem>>)
      %dma_start3A_5 = arith.constant 0 : i32
      %dma_start3A_6 = tpu.memref_slice %arg8[%dma_start3A_5] : memref<16xi32, #tpu.memory_space<vmem>> -> memref<2xi32, #tpu.memory_space<vmem>>
      %dma_start3A_7 = arith.constant 0 : i32
      %dma_start3A_8 = tpu.memref_slice %arg8[%dma_start3A_7] : memref<16xi32, #tpu.memory_space<vmem>> -> memref<2xi32, #tpu.memory_space<vmem>>
      tpu.enqueue_dma source(%arg3 : memref<2xi32, #tpu.memory_space<hbm>>) target(%dma_start3A_8 : memref<2xi32, #tpu.memory_space<vmem>>) target_semaphore(%arg11 : memref<!tpu.dma_semaphore, #tpu.memory_space<semaphore_mem>>)
      %dma_start3A_9 = arith.constant 0 : i32
      %dma_start3A_10 = tpu.memref_slice %arg9[%dma_start3A_9] : memref<16xi32, #tpu.memory_space<vmem>> -> memref<2xi32, #tpu.memory_space<vmem>>
      %dma_start3A_11 = arith.constant 0 : i32
      %dma_start3A_12 = tpu.memref_slice %arg9[%dma_start3A_11] : memref<16xi32, #tpu.memory_space<vmem>> -> memref<2xi32, #tpu.memory_space<vmem>>
      tpu.enqueue_dma source(%arg4 : memref<2xi32, #tpu.memory_space<hbm>>) target(%dma_start3A_12 : memref<2xi32, #tpu.memory_space<vmem>>) target_semaphore(%arg11 : memref<!tpu.dma_semaphore, #tpu.memory_space<semaphore_mem>>)
      tpu.wait_dma2 semaphore(%arg11 : memref<!tpu.dma_semaphore, #tpu.memory_space<semaphore_mem>>) src(%arg5 : memref<160xf32, #tpu.memory_space<hbm>>) dst(%arg10 : memref<160xf32, #tpu.memory_space<vmem>>)
      %dma_wait3A = arith.constant 0 : i32
      %dma_wait3A_13 = tpu.memref_slice %arg7[%dma_wait3A] : memref<16xf32, #tpu.memory_space<vmem>> -> memref<2xf32, #tpu.memory_space<vmem>>
      %dma_wait3A_14 = arith.constant 0 : i32
      %dma_wait3A_15 = tpu.memref_slice %arg7[%dma_wait3A_14] : memref<16xf32, #tpu.memory_space<vmem>> -> memref<2xf32, #tpu.memory_space<vmem>>
      tpu.wait_dma2 semaphore(%arg11 : memref<!tpu.dma_semaphore, #tpu.memory_space<semaphore_mem>>) src(%arg2 : memref<2xf32, #tpu.memory_space<hbm>>) dst(%dma_wait3A_15 : memref<2xf32, #tpu.memory_space<vmem>>)
      %dma_wait3A_16 = arith.constant 0 : i32
      %dma_wait3A_17 = tpu.memref_slice %arg8[%dma_wait3A_16] : memref<16xi32, #tpu.memory_space<vmem>> -> memref<2xi32, #tpu.memory_space<vmem>>
      %dma_wait3A_18 = arith.constant 0 : i32
      %dma_wait3A_19 = tpu.memref_slice %arg8[%dma_wait3A_18] : memref<16xi32, #tpu.memory_space<vmem>> -> memref<2xi32, #tpu.memory_space<vmem>>
      tpu.wait_dma2 semaphore(%arg11 : memref<!tpu.dma_semaphore, #tpu.memory_space<semaphore_mem>>) src(%arg3 : memref<2xi32, #tpu.memory_space<hbm>>) dst(%dma_wait3A_19 : memref<2xi32, #tpu.memory_space<vmem>>)
      %dma_wait3A_20 = arith.constant 0 : i32
      %dma_wait3A_21 = tpu.memref_slice %arg9[%dma_wait3A_20] : memref<16xi32, #tpu.memory_space<vmem>> -> memref<2xi32, #tpu.memory_space<vmem>>
      %dma_wait3A_22 = arith.constant 0 : i32
      %dma_wait3A_23 = tpu.memref_slice %arg9[%dma_wait3A_22] : memref<16xi32, #tpu.memory_space<vmem>> -> memref<2xi32, #tpu.memory_space<vmem>>
      tpu.wait_dma2 semaphore(%arg11 : memref<!tpu.dma_semaphore, #tpu.memory_space<semaphore_mem>>) src(%arg4 : memref<2xi32, #tpu.memory_space<hbm>>) dst(%dma_wait3A_23 : memref<2xi32, #tpu.memory_space<vmem>>)
      %iota3A = tpu.iota {dimensions = array<i32: 0>} : vector<16xi32>
      %lt3A = arith.constant 2 : i32
      %lt3A_24 = vector.broadcast %lt3A : i32 to vector<16xi32>
      %lt3A_25 = arith.cmpi slt, %iota3A, %lt3A_24 : vector<16xi32>
      %get3A = arith.constant 0 : index
      %get3A_26 = tpu.vector_load %arg8[%get3A] {strides = array<i32>} : memref<16xi32, #tpu.memory_space<vmem>>, vector<16xi32>,
      %mul3A = arith.constant 40 : i32
      %mul3A_27 = vector.broadcast %mul3A : i32 to vector<16xi32>
      %mul3A_28 = arith.muli %get3A_26, %mul3A_27 : vector<16xi32>
      %add3A = arith.constant 1 : i32
      %add3A_29 = vector.broadcast %add3A : i32 to vector<16xi32>
      %add3A_30 = arith.addi %iota3A, %add3A_29 : vector<16xi32>
      %mul3A_31 = arith.constant 10 : i32
      %mul3A_32 = vector.broadcast %mul3A_31 : i32 to vector<16xi32>
      %mul3A_33 = arith.muli %add3A_30, %mul3A_32 : vector<16xi32>
      %add3A_34 = arith.addi %mul3A_28, %mul3A_33 : vector<16xi32>
      %get3A_35 = arith.constant 0 : index
      %get3A_36 = tpu.vector_load %arg9[%get3A_35] {strides = array<i32>} : memref<16xi32, #tpu.memory_space<vmem>>, vector<16xi32>,
      %add3A_37 = arith.addi %add3A_34, %get3A_36 : vector<16xi32>
      %jit3A = arith.constant 0 : i32
      %broadcast_in_dim3A = vector.broadcast %jit3A : i32 to vector<16xi32>
      %select_n3A = arith.select %lt3A_25, %add3A_37, %broadcast_in_dim3A : vector<16xi1>, vector<16xi32>
      %get3A_38 = arith.constant 0 : index
      %get3A_39 = tpu.vector_load %arg7[%get3A_38] {strides = array<i32>} : memref<16xf32, #tpu.memory_space<vmem>>, vector<16xf32>,
      tpu.vector_store_idx %arg10[%select_n3A], %get3A_39 masked %lt3A_25 : memref<160xf32, #tpu.memory_space<vmem>>[vector<16xi32>], vector<16xf32>, vector<16xi1>
      "tpu.region"() ({
        %run_scoped3A = tpu.sem_alloc : memref<!tpu.dma_semaphore, #tpu.memory_space<semaphore_mem>>
        tpu.enqueue_dma source(%arg10 : memref<160xf32, #tpu.memory_space<vmem>>) target(%arg6 : memref<160xf32, #tpu.memory_space<hbm>>) target_semaphore(%run_scoped3A : memref<!tpu.dma_semaphore, #tpu.memory_space<semaphore_mem>>)
        tpu.wait_dma2 semaphore(%run_scoped3A : memref<!tpu.dma_semaphore, #tpu.memory_space<semaphore_mem>>) src(%arg10 : memref<160xf32, #tpu.memory_space<vmem>>) dst(%arg6 : memref<160xf32, #tpu.memory_space<hbm>>)
        tpu.yield
      }) : () -> ()
    } else {
    }
    return
  }
}

</mosaic_0001>

<sc_bundles>
// kernel: kernel.3.cloned.1.call-start
scs
__scs_entry_jumppad:
0x0: {  	(pc) =	sbr.rel $0x88, $3  }
0x1: {  	(tag) =	ssettag $0x0;
	lr =	simm.s32 $0x1  }
0x2: {  	[smem:$0x3F9D] =	sst lr;
	_ =	strace $0xD0000000  }
0x3: {  	_ = 	snop  }
0x4: {  	_ = 	snop  }
0x5: {  	_ = 	snop  }
0x6: {  	_ = 	snop  }
0x7: {  	_ = 	snop  }
__scs_overlays_trampoline_lowered:
0x8: {  	[smem:$0x3FAC] =	sst s0  }
0x9: {  	[smem:$0x3FAD] =	sst s1  }
0xa: {  	[smem:$0x3FAE] =	sst s2  }
0xb: {  	[smem:$0x3FAF] =	sst s3  }
0xc: {  	[smem:$0x3FB0] =	sst s4  }
0xd: {  	[smem:$0x3FB1] =	sst s5  }
0xe: {  	[smem:$0x3FB2] =	sst s6  }
0xf: {  	[smem:$0x3FB3] =	sst s7  }
0x10: {  	[smem:$0x3FB4] =	sst s8  }
0x11: {  	[smem:$0x3FB5] =	sst s9;
	s0 =	simm.s32 @!p0 $0x0  }
0x12: {  	s1 =	sld [smem:$0x3F9B];
	s0 =	simm.s32 @p0 $0x1  }
0x13: {  	[smem:$0x3FB6] =	sst s0;
	s0 =	simm.s32 @!p1 $0x0  }
0x14: {  	s2 =	sld [smem:$0x3F9A];
	s0 =	simm.s32 @p1 $0x1  }
0x15: {  	[smem:$0x3FB7] =	sst s0;
	s0 =	simm.s32 @!p2 $0x0  }
0x16: {  	s3 =	sld [smem:$0x3FDB];
	s0 =	simm.s32 @p2 $0x1  }
0x17: {  	s4 =	simm.s32 $0x1BF5;
	[smem:$0x3FB9] =	sst s0  }
0x18: {  	s0 =	sld [smem:$0x3F9C];
	_ =	swait.ge [sflag:s4], $0x0  }
0x19: {  	s7 =	sld [smem:$0x3F9D]  }
0x1a: {  	s8 =	sadd.s32 $0xFFFFE003, lr  }
0x1b: {  	s9 =	sadd.s32 $0xFFFFFEF7, lr;
	s5 =	simm.s32 $0xFFFFFFFF;
	p2 =	slt.u32 s8, $0xFFFFF086  }
0x1c: {  	p1 =	slt.u32 s9, $0xF7A;
	s5 =	simm.s32 @!p2 $0x0  }
0x1d: {  	s5 =	simm.s32 @p1 $0x1;
	p0 =	seq.s32 s7, s2  }
0x1e: {  	s7 =	smul.u32 @!p0 $0xF7A, s2;
	p2 =	seq.s32 @!p0 s5, $0x0  }
0x1f: {  	s9 =	smul.u32 $0xF7A, s1;
	s8 =	simm.s32 @!p0 $0x1BF5;
	p2 =	por !p2, p0  }
0x20: {  	[sflag:s8] =	ssyncset.s32 @!p0 $0xFFFFF086;
	s6 =	sadd.s32 @!p0 s3, s7;
	s7 =	simm.s32 @!p0 $0x108  }
0x21: {  	s3 =	sadd.s32 s3, s9;
	s6 =	sadd.s32 @!p0 $0x88, s6;
	s7 =	simm.s32 @p2 $0x1082  }
0x22: {  	[simem:s7], [sflag:s8] =	dma.local @!p0 [hbm:s6], $0xF7A  }
0x23: {  	s9 =	sor.u32 $0xD0000000, s2;
	s6 =	simm.s32 $0x108;
	_ =	swait.ge @!p0 [sflag:s8], $0x0  }
0x24: {  	s3 =	sadd.s32 $0x88, s3;
	s6 =	simm.s32 @!p1 $0x1082;
	[sflag:s4] =	ssyncset.s32 $0xFFFFF086  }
0x25: {  	[simem:s6], [sflag:s4] =	dma.local [hbm:s3], $0xF7A  }
0x26: {  	[smem:$0x3F9D] =	sst s1;
	(tag) =	ssettag s2;
	_ =	strace s9  }
0x27: {  	s1 =	sld [smem:$0x3FAD]  }
0x28: {  	s2 =	sld [smem:$0x3FAE]  }
0x29: {  	s4 =	sld [smem:$0x3FB0]  }
0x2a: {  	p0 =	seq.s32 s5, $0x0;
	s5 =	sld [smem:$0x3FB1]  }
0x2b: {  	s6 =	sld [smem:$0x3FB2]  }
0x2c: {  	s7 =	sld [smem:$0x3FB3]  }
0x2d: {  	s3 =	simm.s32 $0x108;
	s8 =	sld [smem:$0x3FB4]  }
0x2e: {  	s3 =	simm.s32 @!p0 $0x1082;
	s9 =	sld [smem:$0x3FB5]  }
0x2f: {  	lr =	sadd.s32 s0, s3;
	s0 =	sld [smem:$0x3FAC]  }
0x30: {  	s3 =	sld [smem:$0x3FAF]  }
0x31: {  	[smem:$0x3FB8] =	sst s10  }
0x32: {  	s10 =	sld [smem:$0x3FB6];
	_ =	sdelay $0x3  }
0x33: {  	p0 =	seq.s32 s10, $0x1;
	s10 =	sld [smem:$0x3FB8];
	_ =	sdelay $0x3  }
0x34: {  	[smem:$0x3FB8] =	sst s10  }
0x35: {  	s10 =	sld [smem:$0x3FB7];
	_ =	sdelay $0x3  }
0x36: {  	p1 =	seq.s32 s10, $0x1;
	s10 =	sld [smem:$0x3FB8];
	_ =	sdelay $0x3  }
0x37: {  	[smem:$0x3FB8] =	sst s10  }
0x38: {  	s10 =	sld [smem:$0x3FB9]  }
0x39: {  	_ = 	snop;
	(pc) =	sbr.ind lr, $3  }
0x3a: {  	_ = 	snop  }
0x3b: {  	_ = 	snop  }
0x3c: {  	p2 =	seq.s32 s10, $0x1;
	s10 =	sld [smem:$0x3FB8]  }
0x3d: {  	_ =	shalt  }
0x3e: {  	_ =	shalt  }
0x3f: {  	_ =	shalt  }
0x40: {  	_ =	shalt  }
0x41: {  	_ =	shalt  }
0x42: {  	_ =	shalt  }
0x43: {  	_ =	shalt  }
0x44: {  	_ =	shalt  }
0x45: {  	_ =	shalt  }
0x46: {  	_ =	shalt  }
0x47: {  	_ =	shalt  }
0x48: {  	_ =	shalt  }
0x49: {  	_ =	shalt  }
0x4a: {  	_ =	shalt  }
0x4b: {  	_ =	shalt  }
0x4c: {  	_ =	shalt  }
0x4d: {  	_ =	shalt  }
0x4e: {  	_ =	shalt  }
0x4f: {  	_ =	shalt  }
0x50: {  	_ =	shalt  }
0x51: {  	_ =	shalt  }
0x52: {  	_ =	shalt  }
0x53: {  	_ =	shalt  }
0x54: {  	_ =	shalt  }
0x55: {  	_ =	shalt  }
0x56: {  	_ =	shalt  }
0x57: {  	_ =	shalt  }
0x58: {  	_ =	shalt  }
0x59: {  	_ =	shalt  }
0x5a: {  	_ =	shalt  }
0x5b: {  	_ =	shalt  }
0x5c: {  	_ =	shalt  }
0x5d: {  	_ =	shalt  }
0x5e: {  	_ =	shalt  }
0x5f: {  	_ =	shalt  }
0x60: {  	_ =	shalt  }
0x61: {  	_ =	shalt  }
0x62: {  	_ =	shalt  }
0x63: {  	_ =	shalt  }
0x64: {  	_ =	shalt  }
0x65: {  	_ =	shalt  }
0x66: {  	_ =	shalt  }
0x67: {  	_ =	shalt  }
0x68: {  	_ =	shalt  }
0x69: {  	_ =	shalt  }
0x6a: {  	_ =	shalt  }
0x6b: {  	_ =	shalt  }
0x6c: {  	_ =	shalt  }
0x6d: {  	_ =	shalt  }
0x6e: {  	_ =	shalt  }
0x6f: {  	_ =	shalt  }
0x70: {  	_ =	shalt  }
0x71: {  	_ =	shalt  }
0x72: {  	_ =	shalt  }
0x73: {  	_ =	shalt  }
0x74: {  	_ =	shalt  }
0x75: {  	_ =	shalt  }
0x76: {  	_ =	shalt  }
0x77: {  	_ =	shalt  }
0x78: {  	_ =	shalt  }
0x79: {  	_ =	shalt  }
0x7a: {  	_ =	shalt  }
0x7b: {  	_ =	shalt  }
0x7c: {  	_ =	shalt  }
0x7d: {  	_ =	shalt  }
0x7e: {  	_ =	shalt  }
0x7f: {  	_ =	shalt  }
0x80: {  	_ =	shalt  }
0x81: {  	_ =	shalt  }
0x82: {  	_ =	shalt  }
0x83: {  	_ =	shalt  }
0x84: {  	_ =	shalt  }
0x85: {  	_ =	shalt  }
0x86: {  	_ =	shalt  }
0x87: {  	_ =	shalt  }
.Lfunc_end0:
.L_simem_size_0:
called_computation_lowered:
.L_overlay_start_0:
0x88: {  	s0 =	sld [smem:$0x3FD9]  }
0x89: {  	s1 =	sld [smem:$0x3FFE];
	_ =	sdelay $0x3  }
0x8a: {  	s0 =	sadd.s32 s1, s0  }
0x8b: {  	[smem:$0x3FC4] =	sst s0  }
0x8c: {  	_ = 	snop  }
0x8d: {  	s0 =	sld [smem:$0x3FC9]  }
0x8e: {  	s16 =	sld [smem:$0x3FC8]  }
0x8f: {  	s2 =	sld [smem:$0x3FC7]  }
0x90: {  	s3 =	sld [smem:$0x3FD0];
	(tm) =	ssettm $0x1  }
0x91: {  	s4 =	sld [smem:$0x3FFB];
	_ =	sdelay $0x3  }
0x92: {  	_ =	strace s4  }
0x93: {  	s4 =	sld [smem:$0x3FFC];
	_ =	sdelay $0x3  }
0x94: {  	_ =	strace s4  }
0x95: {  	s4 =	sld [smem:$0x3FFD];
	_ =	sdelay $0x3  }
0x96: {  	_ =	strace s4  }
0x97: {  	_ =	strace $0x8FFFFFFF  }
0x98: {  	s17 =	sld [smem:$0x3FDB];
	_ =	sdelay $0x1  }
0x99: {  	s5 =	simm.s32 $_scs_section_size  }
0x9a: {  	s6 =	simm.s32 $_size__tile_overlayer_lowered;
	s7 =	simm.s32 $_tile_overlayer_lowered  }
0x9b: {  	s20 =	simm.s32 $0x1BFF;
	s19 =	sshll.u32 s7, $0x1;
	s4 =	sadd.s32 s5, s17  }
0x9c: {  	s8 =	simm.s32 $0x0;
	s18 =	sshll.u32 s6, $0x1;
	s6 =	sadd.s32 s19, s4  }
0x9d: {  	[timem:s8], [sflag:s20] =	dma.local [hbm:s6], s18  }
0x9e: {  	_ =	swait.ge [sflag:s20], s18  }
0x9f: {  	s5 =	ssub.s32 $0x0, s18;
	[sflag:s20] =	ssyncset.done $0x0  }
0xa0: {  	[sflag:s20] =	ssyncadd.s32 s5;
	_ =	sdelay $0x1  }
0xa1: {  	s21 =	simm.s32 $0x1B8B  }
0xa2: {  	_ =	swait.ge [sflag:s21], $0x1  }
0xa3: {  	[sflag:s21] =	ssyncset.done $0x0  }
0xa4: {  	s23 =	simm.s32 $0x1B8E;
	s22 =	sld [smem:$0x3FFE];
	[sflag:s21] =	ssyncadd.s32 $0xFFFFFFFF  }
0xa5: {  	s24 =	simm.s32 $execute0_lowered;
	[smem:$0x3FD2] =	sst s23  }
0xa6: {  	s6 =	sshll.u32 s24, $0x1;
	_ =	strace $0x80000046;
	[dreg:$0x1] =	wrdreg $0xFFFFFFFF  }
0xa7: {  	s25 =	simm.s32 $_size_execute0_lowered;
	s4 =	sadd.s32 s4, s6;
	[dreg:$0x0] =	wrdreg $0x0  }
0xa8: {  	s6 =	sshll.u32 s25, $0x1;
	[dreg:$0x2] =	wrdreg s4  }
0xa9: {  	[dreg:$0x3] =	wrdreg s6  }
0xaa: {  	[dreg:$0x4] =	wrdreg $0xC0  }
0xab: {  	_ =	task [dreg:s8], $0x5FFFF  }
0xac: {  	[dreg:$0x1] =	wrdreg $0xFFFFFFFF  }
0xad: {  	[dreg:$0x0] =	wrdreg $0x60  }
0xae: {  	[dreg:$0x2] =	wrdreg s0  }
0xaf: {  	[dreg:$0x3] =	wrdreg s16  }
0xb0: {  	[dreg:$0x4] =	wrdreg s2  }
0xb1: {  	[dreg:$0x5] =	wrdreg s3  }
0xb2: {  	[dreg:$0x6] =	wrdreg s22  }
0xb3: {  	[dreg:$0x7] =	wrdreg $0x9  }
0xb4: {  	_ =	task.clear_ibuf [dreg:s8], $0x8FFFF;
	_ =	strace $0x90000046  }
0xb5: {  	s26 =	simm.s32 $0x9;
	_ =	strace $0x80000048  }
0xb6: {  	_ =	swait.ge [sflag:s26], $0x1  }
0xb7: {  	[sflag:s26] =	ssyncadd.s32 $0xFFFFFFFF  }
0xb8: {  	_ =	strace $0x90000048  }
0xb9: {  	_ =	sfence  }
0xba: {  	s28 =	sld [smem:$0x0];
	_ =	sdelay $0x1  }
0xbb: {  	s29 =	srdreg.scid  }
0xbc: {  	s30 =	sshll.u32 s29, $0xD;
	s31 =	sshrl.u32 s29, $0x2  }
0xbd: {  	s1 =	sand.u32 $0x1, s29;
	s2 =	sand.u32 $0x4000, s30;
	s0 =	sadd.s32 s31, s28  }
0xbe: {  	s1 =	sor.u32 s2, s1;
	s0 =	sshll.u32 s0, $0x11  }
0xbf: {  	s0 =	sor.u32 s0, s1  }
0xc0: {  	s0 =	sadd.s32 $0x8F2B, s0  }
0xc1: {  	[sflag:s0] =	ssyncadd.remote.s32 $0x1  }
0xc2: {  	_ =	sfence.sel $0xFFFF  }
0xc3: {  	[dreg:$0x0] =	wrdreg $0xFFFFFFFF;
	(pc) =	sbr.abs _section_cstart, $3  }
0xc4: {  	[dreg:$0x1] =	wrdreg $0xFFFFFFFF  }
0xc5: {  	_ =	task.clear_ibuf [dreg:s8], $0x2FFFF;
	_ =	strace $0x9FFFFFFF  }
0xc6: {  	(tm) =	ssettm $0x7FFFFFFF  }
0xc7: {  	_ =	shalt  }
tec
execute0_lowered:
.L_overlay_start_1:
0x0: {  	(tag) =	ssettag $0x1  }
0x1: {  	s0 =	rddreg [dreg:$0x0]  }
0x2: {  	s1 =	rddreg [dreg:$0x1]  }
0x3: {  	s2 =	rddreg [dreg:$0x2]  }
0x4: {  	s3 =	rddreg [dreg:$0x3]  }
0x5: {  	s4 =	rddreg [dreg:$0x4];
	s6 =	stileid.u32  }
0x6: {  	s5 =	rddreg [dreg:$0x5];
	_ =	strace $0x80000047;
	p0 =	sne.s32 s6, $0x0  }
0x7: {  	_ =	sfence.sel @p0 $0x180000  }
0x8: {  	[bflag:$0x0] =	sbarrier.arrive @p0 $0xFFFF  }
0x9: {  	_ =	strace @p0 $0x90000047  }
0xa: {  	s6 =	simm.s32 @!p0 $0x0;
	s7 =	simm.s32 @!p0 $0x180;
	[bflag:$0x2] =	sbarrier.arrive @p0 $0xFFFF  }
0xb: {  	[tilespmem:s7], [sflag:$0x1] =	stream.linear.gather @!p0 [hbm4b:s3+s6], $0x100, $0x38;
	[tilespmem:$0x280] =	vst v63  }
0xc: {  	_ = 	snop  }
0xd: {  	[tilespmem:s6], [sflag:$0x1] =	stream.linear.gather @!p0 [hbm4b:s0+s6], $0x2, $0x38;
	[tilespmem:$0x280] =	vst v63  }
0xe: {  	s0 =	simm.s32 @!p0 $0x80  }
0xf: {  	[tilespmem:s0], [sflag:$0x1] =	stream.linear.gather @!p0 [hbm4b:s1+s6], $0x2, $0x38;
	[tilespmem:$0x280] =	vst v63  }
0x10: {  	s0 =	simm.s32 @!p0 $0x100  }
0x11: {  	[tilespmem:s0], [sflag:$0x1] =	stream.linear.gather @!p0 [hbm4b:s2+s6], $0x2, $0x38;
	[tilespmem:$0x280] =	vst v63  }
0x12: {  	s0 =	simm.s32 @!p0 $0x1  }
0x13: {  	_ =	swait.ge @!p0 [sflag:s0], $0x100  }
0x14: {  	[sflag:s0] =	ssyncset.done @!p0 $0x0  }
0x15: {  	[sflag:s0] =	ssyncadd.s32 @!p0 $0xFFFFFF00  }
0x16: {  	_ =	swait.ge @!p0 [sflag:s0], $0x2  }
0x17: {  	[sflag:s0] =	ssyncset.done @!p0 $0x0  }
0x18: {  	[sflag:s0] =	ssyncadd.s32 @!p0 $0xFFFFFFFE  }
0x19: {  	_ =	swait.ge @!p0 [sflag:s0], $0x2  }
0x1a: {  	[sflag:s0] =	ssyncset.done @!p0 $0x0  }
0x1b: {  	[sflag:s0] =	ssyncadd.s32 @!p0 $0xFFFFFFFE  }
0x1c: {  	_ =	swait.ge @!p0 [sflag:s0], $0x2  }
0x1d: {  	[sflag:s0] =	ssyncset.done @!p0 $0x0  }
0x1e: {  	[sflag:s0] =	ssyncadd.s32 @!p0 $0xFFFFFFFE  }
0x1f: {  	v0 =	vld @!p0 [tilespmem:$0x80];
	_ =	sdelay $0x1  }
0x20: {  	v1 =	vld @!p0 [tilespmem:$0x100];
	_ =	sdelay $0x1  }
0x21: {  	v2 =	vlaneseq.u32 @!p0  }
0x22: {  	v2 =	vmul.u32 @!p0 $0xA, v2;
	v0 =	vmul.u32 @!p0 $0x28, v0;
	_ =	sdelay $0x1  }
0x23: {  	v0 =	vadd.s32 @!p0 v1, v0;
	v1 =	vadd.s32 @!p0 $0xA, v2  }
0x24: {  	vm0 =	vmmov @!p0 $0x3;
	v0 =	vadd.s32 @!p0 v1, v0  }
0x25: {  	v1 =	vld @!p0 [tilespmem:$0x0];
	v0 =	vnsel @!p0 vm0, $0x0, v0;
	_ =	sdelay $0x4  }
0x26: {  	s0 =	sadd.s32 $0x400, s4;
	[tilespmem:v0+s7+$0x0] =	vst.idx.msk @!p0 $0x3, v1  }
0x27: {  	[hbm4b:s0+s6] =	stream.linear.scatter @!p0 [tilespmem:s7], [sflag:$0x2], $0x100, $0x38;
	[tilespmem:$0x280] =	vst v63  }
0x28: {  	s0 =	simm.s32 @!p0 $0x2  }
0x29: {  	_ =	swait.ge @!p0 [sflag:s0], $0x100  }
0x2a: {  	[sflag:s0] =	ssyncset.done @!p0 $0x0  }
0x2b: {  	[sflag:s0] =	ssyncadd.s32 @!p0 $0xFFFFFF00  }
0x2c: {  	_ =	sfence.sel @!p0 $0x180000  }
0x2d: {  	[bflag:$0x0] =	sbarrier.arrive @!p0 $0xFFFF  }
0x2e: {  	_ =	strace @!p0 $0x90000047  }
0x2f: {  	s0 =	sadd.s32 @!p0 $0x100000, s5;
	[bflag:$0x2] =	sbarrier.arrive @!p0 $0xFFFF  }
0x30: {  	[sflag:s0] =	ssyncadd.tile.s32 @!p0 $0x1;
	_ =	shalt  }
.Lfunc_end2:
_tile_overlayer_lowered:
.L_overlay_start_2:
0x31: {  	(tag) =	ssettag $0x2  }
0x32: {  	s0 =	rddreg [dreg:$0x0];
	s2 =	stileid.u32  }
0x33: {  	s1 =	rddreg [dreg:$0x1];
	p0 =	sne.s32 s2, $0x0  }
0x34: {  	s3 =	rddreg [dreg:$0x2];
	[bflag:$0x3] =	sbarrier.arrive $0xFFFF;
	s2 =	simm.s32 @!p0 $0x1C02  }
0x35: {  	[timem:s3], [sflag:s2] =	dma.local @!p0 [hbm:s0], s1  }
0x36: {  	s0 =	simm.s32 @!p0 $0x2  }
0x37: {  	_ =	swait.ge @!p0 [sflag:s0], s1  }
0x38: {  	s1 =	ssub.s32 @!p0 $0x0, s1;
	[sflag:s0] =	ssyncset.done @!p0 $0x0  }
0x39: {  	[sflag:s0] =	ssyncadd.s32 @!p0 s1  }
0x3a: {  	[bflag:$0x3] =	sbarrier.arrive $0xFFFF  }
0x3b: {  	_ =	shalt  }

</sc_bundles>
